<compile_context>
chip_gen: v7x
topology: tpu7x:2x2x1
jax: 0.10.2.dev20260603
libtpu: 0.0.44.dev20260713+nightly
codegen_flags: <defaults>
</compile_context>

<pallas_src>
import functools

import jax
import jax.numpy as jnp
from jax import lax
from jax.experimental import pallas as pl
from jax.experimental.pallas import tpu as pltpu
from jax.experimental.pallas import tpu_sc as plsc

EDIM = 64
NT = 4
NC = 2
NS = 16
NW = NC * NS
NB = 128
LANE = 128


def _sc_embed(idx0, idx1, idx2, idx3, a0, a1, a2, a3):
    n = idx0.shape[0]
    per_w = n // NW
    n_blk = per_w // NB
    mesh = plsc.VectorSubcoreMesh(core_axis_name="c", subcore_axis_name="s")

    @functools.partial(
        pl.kernel,
        out_type=jax.ShapeDtypeStruct((n, 2 * LANE), jnp.float32),
        mesh=mesh,
        scratch_types=[
            pltpu.VMEM((NB,), jnp.int32),
            pltpu.VMEM((NB,), jnp.int32),
            pltpu.VMEM((NB,), jnp.int32),
            pltpu.VMEM((NB,), jnp.int32),
            pltpu.VMEM((NB, 2 * LANE), jnp.float32),
            pltpu.VMEM((NB, LANE), jnp.float32),
            pltpu.VMEM((NB, LANE), jnp.float32),
            pltpu.SemaphoreType.DMA,
        ],
    )
    def k(i0, i1, i2, i3, w0, w1, w2, w3, out, v0, v1, v2, v3,
          rows, r1, r3, sem):
        wid = lax.axis_index("s") * NC + lax.axis_index("c")
        base = wid * per_w

        @pl.loop(0, n_blk)
        def body(g):
            pos = base + g * NB
            pltpu.sync_copy(i0.at[pl.ds(pos, NB)], v0)
            pltpu.sync_copy(i1.at[pl.ds(pos, NB)], v1)
            pltpu.sync_copy(i2.at[pl.ds(pos, NB)], v2)
            pltpu.sync_copy(i3.at[pl.ds(pos, NB)], v3)
            c0 = pltpu.async_copy(w0.at[v0], rows.at[:, pl.ds(0, LANE)], sem)
            c2 = pltpu.async_copy(w2.at[v2], rows.at[:, pl.ds(LANE, LANE)], sem)
            c1 = pltpu.async_copy(w1.at[v1], r1, sem)
            c3 = pltpu.async_copy(w3.at[v3], r3, sem)
            c0.wait()
            c2.wait()
            c1.wait()
            c3.wait()

            @plsc.parallel_loop(0, NB, unroll=8)
            def repack(p):
                for c in range(EDIM // 16):
                    rows[p, pl.ds(EDIM + 16 * c, 16)] = r1[p, pl.ds(16 * c, 16)]
                    rows[p, pl.ds(LANE + EDIM + 16 * c, 16)] = r3[p, pl.ds(16 * c, 16)]

            pltpu.sync_copy(rows, out.at[pl.ds(pos, NB)])

    return k(idx0, idx1, idx2, idx3, a0, a1, a2, a3)


def kernel(num_mentions_total, num_mentions_named, num_mentions_nominal,
           num_mentions_pronominal, W_total, W_named, W_nominal, W_pronominal):
    b, l = num_mentions_total.shape
    flat = lambda x: x.reshape(-1).astype(jnp.int32)
    pad = lambda w: jnp.pad(w, ((0, 0), (0, LANE - EDIM)))
    out = _sc_embed(
        flat(num_mentions_total), flat(num_mentions_named),
        flat(num_mentions_nominal), flat(num_mentions_pronominal),
        pad(W_total), pad(W_named), pad(W_nominal), pad(W_pronominal))
    return out.reshape(b, l, NT * EDIM)

# --- scband reference (transcript-rebuilt; emitter-appended) ---
"""Pipeline reference for scband-salience-embedding-25941602468523 (READ-ONLY COPY).

The authoritative reference and input builder live on the scoring server;
editing this copy changes nothing except your own understanding.
"""

import jax, jax.numpy as jnp
import numpy as np

VOCAB = 100000
EDIM = 64
B = 4096
L = 200

def setup_inputs(seed: int = 0) -> dict:
    key = jax.random.key(seed)
    k1, k2, k3, k4, k5, k6, k7, k8 = jax.random.split(key, 8)
    num_mentions_total = jax.random.randint(k1, (B, L), 0, VOCAB, dtype=jnp.int64 if jax.config.jax_enable_x64 else jnp.int32)
    num_mentions_named = jax.random.randint(k2, (B, L), 0, VOCAB, dtype=num_mentions_total.dtype)
    num_mentions_nominal = jax.random.randint(k3, (B, L), 0, VOCAB, dtype=num_mentions_total.dtype)
    num_mentions_pronominal = jax.random.randint(k4, (B, L), 0, VOCAB, dtype=num_mentions_total.dtype)
    W_total = jax.random.normal(k5, (VOCAB, EDIM), dtype=jnp.float32)
    W_named = jax.random.normal(k6, (VOCAB, EDIM), dtype=jnp.float32)
    W_nominal = jax.random.normal(k7, (VOCAB, EDIM), dtype=jnp.float32)
    W_pronominal = jax.random.normal(k8, (VOCAB, EDIM), dtype=jnp.float32)
    return {
        'num_mentions_total': num_mentions_total,
        'num_mentions_named': num_mentions_named,
        'num_mentions_nominal': num_mentions_nominal,
        'num_mentions_pronominal': num_mentions_pronominal,
        'W_total': W_total,
        'W_named': W_named,
        'W_nominal': W_nominal,
        'W_pronominal': W_pronominal,
    }

def reference(num_mentions_total, num_mentions_named, num_mentions_nominal, num_mentions_pronominal, W_total, W_named, W_nominal, W_pronominal):
    total_embed = jnp.take(W_total, num_mentions_total, axis=0)
    named_embed = jnp.take(W_named, num_mentions_named, axis=0)
    nominal_embed = jnp.take(W_nominal, num_mentions_nominal, axis=0)
    pronominal_embed = jnp.take(W_pronominal, num_mentions_pronominal, axis=0)
    return jnp.concatenate([total_embed, named_embed, nominal_embed, pronominal_embed], axis=2)

if __name__ == "__main__":
    import jax
    _d = setup_inputs()
    print(jax.jit(kernel)(*tuple(_d.values())))

</pallas_src>

<mosaic_0001>
#map = affine_map<(d0, d1) -> (0)>
#map1 = affine_map<(d0, d1) -> (0, 0)>
module attributes {stable_mosaic.version = 14 : i64} {
  func.func @k(%arg0: i32, %arg1: i32, %arg2: memref<819200xi32, #tpu.memory_space<hbm>>, %arg3: memref<819200xi32, #tpu.memory_space<hbm>>, %arg4: memref<819200xi32, #tpu.memory_space<hbm>>, %arg5: memref<819200xi32, #tpu.memory_space<hbm>>, %arg6: memref<100000x128xf32, #tpu.memory_space<hbm>>, %arg7: memref<100000x128xf32, #tpu.memory_space<hbm>>, %arg8: memref<100000x128xf32, #tpu.memory_space<hbm>>, %arg9: memref<100000x128xf32, #tpu.memory_space<hbm>>, %arg10: memref<819200x256xf32, #tpu.memory_space<hbm>>, %arg11: memref<128xi32, #tpu.memory_space<vmem>>, %arg12: memref<128xi32, #tpu.memory_space<vmem>>, %arg13: memref<128xi32, #tpu.memory_space<vmem>>, %arg14: memref<128xi32, #tpu.memory_space<vmem>>, %arg15: memref<128x256xf32, #tpu.memory_space<vmem>>, %arg16: memref<128x128xf32, #tpu.memory_space<vmem>>, %arg17: memref<128x128xf32, #tpu.memory_space<vmem>>, %arg18: memref<!tpu.dma_semaphore, #tpu.memory_space<semaphore_mem>>) attributes {dimension_semantics = [#tpu.dimension_semantics<core_parallel>, #tpu.dimension_semantics<subcore_parallel>], iteration_bounds = array<i64: 2, 16>, scalar_prefetch = 0 : i64, scratch_operands = 8 : i64, tpu.core_type = #tpu.core_type<sc_vector_subcore>, window_params = [{transform_indices = #map}, {transform_indices = #map}, {transform_indices = #map}, {transform_indices = #map}, {transform_indices = #map1}, {transform_indices = #map1}, {transform_indices = #map1}, {transform_indices = #map1}, {transform_indices = #map1}]} {
    %mul3A = arith.constant 2 : i32
    %mul3A_0 = arith.muli %arg1, %mul3A : i32
    %add3A = arith.addi %mul3A_0, %arg0 : i32
    %mul3A_1 = arith.constant 25600 : i32
    %mul3A_2 = arith.muli %add3A, %mul3A_1 : i32
    %scan3A = arith.constant 0 : i32
    %scan3A_3 = arith.constant 200 : i32
    %scan3A_4 = arith.addi %scan3A, %scan3A_3 : i32
    %scan3A_5 = arith.constant 1 : i32
    scf.for %scan3A_7 = %scan3A to %scan3A_4 step %scan3A_5  : i32 {
      %mul3A_8 = arith.constant 1 : i32
      %mul3A_9 = arith.muli %scan3A_7, %mul3A_8 : i32
      %add3A_10 = arith.constant 0 : i32
      %add3A_11 = arith.addi %add3A_10, %mul3A_9 : i32
      %mul3A_12 = arith.constant 128 : i32
      %mul3A_13 = arith.muli %add3A_11, %mul3A_12 : i32
      %add3A_14 = arith.addi %mul3A_2, %mul3A_13 : i32
      "tpu.region"() ({
        %run_scoped3A = tpu.sem_alloc : memref<!tpu.dma_semaphore, #tpu.memory_space<semaphore_mem>>
        %dma_start3A_51 = tpu.memref_slice %arg2[%add3A_14] : memref<819200xi32, #tpu.memory_space<hbm>> -> memref<128xi32, #tpu.memory_space<hbm>>
        %dma_start3A_52 = tpu.memref_slice %arg2[%add3A_14] : memref<819200xi32, #tpu.memory_space<hbm>> -> memref<128xi32, #tpu.memory_space<hbm>>
        tpu.enqueue_dma source(%dma_start3A_52 : memref<128xi32, #tpu.memory_space<hbm>>) target(%arg11 : memref<128xi32, #tpu.memory_space<vmem>>) target_semaphore(%run_scoped3A : memref<!tpu.dma_semaphore, #tpu.memory_space<semaphore_mem>>)
        %dma_wait3A_53 = tpu.memref_slice %arg2[%add3A_14] : memref<819200xi32, #tpu.memory_space<hbm>> -> memref<128xi32, #tpu.memory_space<hbm>>
        %dma_wait3A_54 = tpu.memref_slice %arg2[%add3A_14] : memref<819200xi32, #tpu.memory_space<hbm>> -> memref<128xi32, #tpu.memory_space<hbm>>
        tpu.wait_dma2 semaphore(%run_scoped3A : memref<!tpu.dma_semaphore, #tpu.memory_space<semaphore_mem>>) src(%dma_wait3A_54 : memref<128xi32, #tpu.memory_space<hbm>>) dst(%arg11 : memref<128xi32, #tpu.memory_space<vmem>>)
        tpu.yield
      }) : () -> ()
      "tpu.region"() ({
        %run_scoped3A = tpu.sem_alloc : memref<!tpu.dma_semaphore, #tpu.memory_space<semaphore_mem>>
        %dma_start3A_51 = tpu.memref_slice %arg3[%add3A_14] : memref<819200xi32, #tpu.memory_space<hbm>> -> memref<128xi32, #tpu.memory_space<hbm>>
        %dma_start3A_52 = tpu.memref_slice %arg3[%add3A_14] : memref<819200xi32, #tpu.memory_space<hbm>> -> memref<128xi32, #tpu.memory_space<hbm>>
        tpu.enqueue_dma source(%dma_start3A_52 : memref<128xi32, #tpu.memory_space<hbm>>) target(%arg12 : memref<128xi32, #tpu.memory_space<vmem>>) target_semaphore(%run_scoped3A : memref<!tpu.dma_semaphore, #tpu.memory_space<semaphore_mem>>)
        %dma_wait3A_53 = tpu.memref_slice %arg3[%add3A_14] : memref<819200xi32, #tpu.memory_space<hbm>> -> memref<128xi32, #tpu.memory_space<hbm>>
        %dma_wait3A_54 = tpu.memref_slice %arg3[%add3A_14] : memref<819200xi32, #tpu.memory_space<hbm>> -> memref<128xi32, #tpu.memory_space<hbm>>
        tpu.wait_dma2 semaphore(%run_scoped3A : memref<!tpu.dma_semaphore, #tpu.memory_space<semaphore_mem>>) src(%dma_wait3A_54 : memref<128xi32, #tpu.memory_space<hbm>>) dst(%arg12 : memref<128xi32, #tpu.memory_space<vmem>>)
        tpu.yield
      }) : () -> ()
      "tpu.region"() ({
        %run_scoped3A = tpu.sem_alloc : memref<!tpu.dma_semaphore, #tpu.memory_space<semaphore_mem>>
        %dma_start3A_51 = tpu.memref_slice %arg4[%add3A_14] : memref<819200xi32, #tpu.memory_space<hbm>> -> memref<128xi32, #tpu.memory_space<hbm>>
        %dma_start3A_52 = tpu.memref_slice %arg4[%add3A_14] : memref<819200xi32, #tpu.memory_space<hbm>> -> memref<128xi32, #tpu.memory_space<hbm>>
        tpu.enqueue_dma source(%dma_start3A_52 : memref<128xi32, #tpu.memory_space<hbm>>) target(%arg13 : memref<128xi32, #tpu.memory_space<vmem>>) target_semaphore(%run_scoped3A : memref<!tpu.dma_semaphore, #tpu.memory_space<semaphore_mem>>)
        %dma_wait3A_53 = tpu.memref_slice %arg4[%add3A_14] : memref<819200xi32, #tpu.memory_space<hbm>> -> memref<128xi32, #tpu.memory_space<hbm>>
        %dma_wait3A_54 = tpu.memref_slice %arg4[%add3A_14] : memref<819200xi32, #tpu.memory_space<hbm>> -> memref<128xi32, #tpu.memory_space<hbm>>
        tpu.wait_dma2 semaphore(%run_scoped3A : memref<!tpu.dma_semaphore, #tpu.memory_space<semaphore_mem>>) src(%dma_wait3A_54 : memref<128xi32, #tpu.memory_space<hbm>>) dst(%arg13 : memref<128xi32, #tpu.memory_space<vmem>>)
        tpu.yield
      }) : () -> ()
      "tpu.region"() ({
        %run_scoped3A = tpu.sem_alloc : memref<!tpu.dma_semaphore, #tpu.memory_space<semaphore_mem>>
        %dma_start3A_51 = tpu.memref_slice %arg5[%add3A_14] : memref<819200xi32, #tpu.memory_space<hbm>> -> memref<128xi32, #tpu.memory_space<hbm>>
        %dma_start3A_52 = tpu.memref_slice %arg5[%add3A_14] : memref<819200xi32, #tpu.memory_space<hbm>> -> memref<128xi32, #tpu.memory_space<hbm>>
        tpu.enqueue_dma source(%dma_start3A_52 : memref<128xi32, #tpu.memory_space<hbm>>) target(%arg14 : memref<128xi32, #tpu.memory_space<vmem>>) target_semaphore(%run_scoped3A : memref<!tpu.dma_semaphore, #tpu.memory_space<semaphore_mem>>)
        %dma_wait3A_53 = tpu.memref_slice %arg5[%add3A_14] : memref<819200xi32, #tpu.memory_space<hbm>> -> memref<128xi32, #tpu.memory_space<hbm>>
        %dma_wait3A_54 = tpu.memref_slice %arg5[%add3A_14] : memref<819200xi32, #tpu.memory_space<hbm>> -> memref<128xi32, #tpu.memory_space<hbm>>
        tpu.wait_dma2 semaphore(%run_scoped3A : memref<!tpu.dma_semaphore, #tpu.memory_space<semaphore_mem>>) src(%dma_wait3A_54 : memref<128xi32, #tpu.memory_space<hbm>>) dst(%arg14 : memref<128xi32, #tpu.memory_space<vmem>>)
        tpu.yield
      }) : () -> ()
      %dma_start3A = arith.constant 0 : i32
      %dma_start3A_15 = arith.constant 0 : i32
      %dma_start3A_16 = tpu.memref_slice %arg15[%dma_start3A, %dma_start3A_15] : memref<128x256xf32, #tpu.memory_space<vmem>> -> memref<128x128xf32, #tpu.memory_space<vmem>>
      %dma_start3A_17 = arith.constant 0 : i32
      %dma_start3A_18 = arith.constant 0 : i32
      %dma_start3A_19 = tpu.memref_slice %arg6[%dma_start3A_17, %dma_start3A_18] : memref<100000x128xf32, #tpu.memory_space<hbm>> -> memref<100000x128xf32, #tpu.memory_space<hbm>>
      tpu.enqueue_indirect_dma source(%dma_start3A_19 : memref<100000x128xf32, #tpu.memory_space<hbm>>) target(%dma_start3A_16 : memref<128x128xf32, #tpu.memory_space<vmem>>) offsets(%arg11 : memref<128xi32, #tpu.memory_space<vmem>>) semaphore(%arg18 : memref<!tpu.dma_semaphore, #tpu.memory_space<semaphore_mem>>)
      %dma_start3A_20 = arith.constant 0 : i32
      %dma_start3A_21 = arith.constant 128 : i32
      %dma_start3A_22 = tpu.memref_slice %arg15[%dma_start3A_20, %dma_start3A_21] : memref<128x256xf32, #tpu.memory_space<vmem>> -> memref<128x128xf32, #tpu.memory_space<vmem>>
      %dma_start3A_23 = arith.constant 0 : i32
      %dma_start3A_24 = arith.constant 0 : i32
      %dma_start3A_25 = tpu.memref_slice %arg8[%dma_start3A_23, %dma_start3A_24] : memref<100000x128xf32, #tpu.memory_space<hbm>> -> memref<100000x128xf32, #tpu.memory_space<hbm>>
      tpu.enqueue_indirect_dma source(%dma_start3A_25 : memref<100000x128xf32, #tpu.memory_space<hbm>>) target(%dma_start3A_22 : memref<128x128xf32, #tpu.memory_space<vmem>>) offsets(%arg13 : memref<128xi32, #tpu.memory_space<vmem>>) semaphore(%arg18 : memref<!tpu.dma_semaphore, #tpu.memory_space<semaphore_mem>>)
      %dma_start3A_26 = arith.constant 0 : i32
      %dma_start3A_27 = arith.constant 0 : i32
      %dma_start3A_28 = tpu.memref_slice %arg7[%dma_start3A_26, %dma_start3A_27] : memref<100000x128xf32, #tpu.memory_space<hbm>> -> memref<100000x128xf32, #tpu.memory_space<hbm>>
      tpu.enqueue_indirect_dma source(%dma_start3A_28 : memref<100000x128xf32, #tpu.memory_space<hbm>>) target(%arg16 : memref<128x128xf32, #tpu.memory_space<vmem>>) offsets(%arg12 : memref<128xi32, #tpu.memory_space<vmem>>) semaphore(%arg18 : memref<!tpu.dma_semaphore, #tpu.memory_space<semaphore_mem>>)
      %dma_start3A_29 = arith.constant 0 : i32
      %dma_start3A_30 = arith.constant 0 : i32
      %dma_start3A_31 = tpu.memref_slice %arg9[%dma_start3A_29, %dma_start3A_30] : memref<100000x128xf32, #tpu.memory_space<hbm>> -> memref<100000x128xf32, #tpu.memory_space<hbm>>
      tpu.enqueue_indirect_dma source(%dma_start3A_31 : memref<100000x128xf32, #tpu.memory_space<hbm>>) target(%arg17 : memref<128x128xf32, #tpu.memory_space<vmem>>) offsets(%arg14 : memref<128xi32, #tpu.memory_space<vmem>>) semaphore(%arg18 : memref<!tpu.dma_semaphore, #tpu.memory_space<semaphore_mem>>)
      %dma_wait3A = arith.constant 0 : i32
      %dma_wait3A_32 = arith.constant 0 : i32
      %dma_wait3A_33 = tpu.memref_slice %arg15[%dma_wait3A, %dma_wait3A_32] : memref<128x256xf32, #tpu.memory_space<vmem>> -> memref<128x128xf32, #tpu.memory_space<vmem>>
      %dma_wait3A_34 = arith.constant 0 : i32
      %dma_wait3A_35 = arith.constant 0 : i32
      %dma_wait3A_36 = tpu.memref_slice %arg6[%dma_wait3A_34, %dma_wait3A_35] : memref<100000x128xf32, #tpu.memory_space<hbm>> -> memref<100000x128xf32, #tpu.memory_space<hbm>>
      tpu.wait_indirect_dma semaphore(%arg18 : memref<!tpu.dma_semaphore, #tpu.memory_space<semaphore_mem>>) src(%dma_wait3A_36 : memref<100000x128xf32, #tpu.memory_space<hbm>>) dst(%dma_wait3A_33 : memref<128x128xf32, #tpu.memory_space<vmem>>)
      %dma_wait3A_37 = arith.constant 0 : i32
      %dma_wait3A_38 = arith.constant 128 : i32
      %dma_wait3A_39 = tpu.memref_slice %arg15[%dma_wait3A_37, %dma_wait3A_38] : memref<128x256xf32, #tpu.memory_space<vmem>> -> memref<128x128xf32, #tpu.memory_space<vmem>>
      %dma_wait3A_40 = arith.constant 0 : i32
      %dma_wait3A_41 = arith.constant 0 : i32
      %dma_wait3A_42 = tpu.memref_slice %arg8[%dma_wait3A_40, %dma_wait3A_41] : memref<100000x128xf32, #tpu.memory_space<hbm>> -> memref<100000x128xf32, #tpu.memory_space<hbm>>
      tpu.wait_indirect_dma semaphore(%arg18 : memref<!tpu.dma_semaphore, #tpu.memory_space<semaphore_mem>>) src(%dma_wait3A_42 : memref<100000x128xf32, #tpu.memory_space<hbm>>) dst(%dma_wait3A_39 : memref<128x128xf32, #tpu.memory_space<vmem>>)
      %dma_wait3A_43 = arith.constant 0 : i32
      %dma_wait3A_44 = arith.constant 0 : i32
      %dma_wait3A_45 = tpu.memref_slice %arg7[%dma_wait3A_43, %dma_wait3A_44] : memref<100000x128xf32, #tpu.memory_space<hbm>> -> memref<100000x128xf32, #tpu.memory_space<hbm>>
      tpu.wait_indirect_dma semaphore(%arg18 : memref<!tpu.dma_semaphore, #tpu.memory_space<semaphore_mem>>) src(%dma_wait3A_45 : memref<100000x128xf32, #tpu.memory_space<hbm>>) dst(%arg16 : memref<128x128xf32, #tpu.memory_space<vmem>>)
      %dma_wait3A_46 = arith.constant 0 : i32
      %dma_wait3A_47 = arith.constant 0 : i32
      %dma_wait3A_48 = tpu.memref_slice %arg9[%dma_wait3A_46, %dma_wait3A_47] : memref<100000x128xf32, #tpu.memory_space<hbm>> -> memref<100000x128xf32, #tpu.memory_space<hbm>>
      tpu.wait_indirect_dma semaphore(%arg18 : memref<!tpu.dma_semaphore, #tpu.memory_space<semaphore_mem>>) src(%dma_wait3A_48 : memref<100000x128xf32, #tpu.memory_space<hbm>>) dst(%arg17 : memref<128x128xf32, #tpu.memory_space<vmem>>)
      %parallel_loop3A = arith.constant 0 : i32
      %parallel_loop3A_49 = arith.constant 128 : i32
      %parallel_loop3A_50 = arith.constant 1 : i32
      scf.for %parallel_loop3A_51 = %parallel_loop3A to %parallel_loop3A_49 step %parallel_loop3A_50  : i32 {
        %parallel_loop3A_52 = arith.index_cast %parallel_loop3A_51 : i32 to index
        %parallel_loop3A_53 = arith.constant 0 : index
        %parallel_loop3A_54 = tpu.vector_load %arg16[%parallel_loop3A_52, %parallel_loop3A_53] {strides = array<i32>} : memref<128x128xf32, #tpu.memory_space<vmem>>, vector<1x16xf32>,
        %parallel_loop3A_55 = vector.shape_cast %parallel_loop3A_54 : vector<1x16xf32> to vector<16xf32>
        %parallel_loop3A_56 = arith.index_cast %parallel_loop3A_51 : i32 to index
        %parallel_loop3A_57 = arith.constant 64 : index
        %parallel_loop3A_58 = tpu.vector_load %arg15[%parallel_loop3A_56, %parallel_loop3A_57] {strides = array<i32>} : memref<128x256xf32, #tpu.memory_space<vmem>>, vector<1x16xf32>,
        %parallel_loop3A_59 = vector.shape_cast %parallel_loop3A_58 : vector<1x16xf32> to vector<16xf32>
        %parallel_loop3A_60 = vector.shape_cast %parallel_loop3A_55 : vector<16xf32> to vector<1x16xf32>
        tpu.vector_store %arg15[%parallel_loop3A_56, %parallel_loop3A_57], %parallel_loop3A_60 {strides = array<i32>} : memref<128x256xf32, #tpu.memory_space<vmem>>, vector<1x16xf32>,
        %parallel_loop3A_61 = arith.index_cast %parallel_loop3A_51 : i32 to index
        %parallel_loop3A_62 = arith.constant 0 : index
        %parallel_loop3A_63 = tpu.vector_load %arg17[%parallel_loop3A_61, %parallel_loop3A_62] {strides = array<i32>} : memref<128x128xf32, #tpu.memory_space<vmem>>, vector<1x16xf32>,
        %parallel_loop3A_64 = vector.shape_cast %parallel_loop3A_63 : vector<1x16xf32> to vector<16xf32>
        %parallel_loop3A_65 = arith.index_cast %parallel_loop3A_51 : i32 to index
        %parallel_loop3A_66 = arith.constant 192 : index
        %parallel_loop3A_67 = tpu.vector_load %arg15[%parallel_loop3A_65, %parallel_loop3A_66] {strides = array<i32>} : memref<128x256xf32, #tpu.memory_space<vmem>>, vector<1x16xf32>,
        %parallel_loop3A_68 = vector.shape_cast %parallel_loop3A_67 : vector<1x16xf32> to vector<16xf32>
        %parallel_loop3A_69 = vector.shape_cast %parallel_loop3A_64 : vector<16xf32> to vector<1x16xf32>
        tpu.vector_store %arg15[%parallel_loop3A_65, %parallel_loop3A_66], %parallel_loop3A_69 {strides = array<i32>} : memref<128x256xf32, #tpu.memory_space<vmem>>, vector<1x16xf32>,
        %parallel_loop3A_70 = arith.index_cast %parallel_loop3A_51 : i32 to index
        %parallel_loop3A_71 = arith.constant 16 : index
        %parallel_loop3A_72 = tpu.vector_load %arg16[%parallel_loop3A_70, %parallel_loop3A_71] {strides = array<i32>} : memref<128x128xf32, #tpu.memory_space<vmem>>, vector<1x16xf32>,
        %parallel_loop3A_73 = vector.shape_cast %parallel_loop3A_72 : vector<1x16xf32> to vector<16xf32>
        %parallel_loop3A_74 = arith.index_cast %parallel_loop3A_51 : i32 to index
        %parallel_loop3A_75 = arith.constant 80 : index
        %parallel_loop3A_76 = tpu.vector_load %arg15[%parallel_loop3A_74, %parallel_loop3A_75] {strides = array<i32>} : memref<128x256xf32, #tpu.memory_space<vmem>>, vector<1x16xf32>,
        %parallel_loop3A_77 = vector.shape_cast %parallel_loop3A_76 : vector<1x16xf32> to vector<16xf32>
        %parallel_loop3A_78 = vector.shape_cast %parallel_loop3A_73 : vector<16xf32> to vector<1x16xf32>
        tpu.vector_store %arg15[%parallel_loop3A_74, %parallel_loop3A_75], %parallel_loop3A_78 {strides = array<i32>} : memref<128x256xf32, #tpu.memory_space<vmem>>, vector<1x16xf32>,
        %parallel_loop3A_79 = arith.index_cast %parallel_loop3A_51 : i32 to index
        %parallel_loop3A_80 = arith.constant 16 : index
        %parallel_loop3A_81 = tpu.vector_load %arg17[%parallel_loop3A_79, %parallel_loop3A_80] {strides = array<i32>} : memref<128x128xf32, #tpu.memory_space<vmem>>, vector<1x16xf32>,
        %parallel_loop3A_82 = vector.shape_cast %parallel_loop3A_81 : vector<1x16xf32> to vector<16xf32>
        %parallel_loop3A_83 = arith.index_cast %parallel_loop3A_51 : i32 to index
        %parallel_loop3A_84 = arith.constant 208 : index
        %parallel_loop3A_85 = tpu.vector_load %arg15[%parallel_loop3A_83, %parallel_loop3A_84] {strides = array<i32>} : memref<128x256xf32, #tpu.memory_space<vmem>>, vector<1x16xf32>,
        %parallel_loop3A_86 = vector.shape_cast %parallel_loop3A_85 : vector<1x16xf32> to vector<16xf32>
        %parallel_loop3A_87 = vector.shape_cast %parallel_loop3A_82 : vector<16xf32> to vector<1x16xf32>
        tpu.vector_store %arg15[%parallel_loop3A_83, %parallel_loop3A_84], %parallel_loop3A_87 {strides = array<i32>} : memref<128x256xf32, #tpu.memory_space<vmem>>, vector<1x16xf32>,
        %parallel_loop3A_88 = arith.index_cast %parallel_loop3A_51 : i32 to index
        %parallel_loop3A_89 = arith.constant 32 : index
        %parallel_loop3A_90 = tpu.vector_load %arg16[%parallel_loop3A_88, %parallel_loop3A_89] {strides = array<i32>} : memref<128x128xf32, #tpu.memory_space<vmem>>, vector<1x16xf32>,
        %parallel_loop3A_91 = vector.shape_cast %parallel_loop3A_90 : vector<1x16xf32> to vector<16xf32>
        %parallel_loop3A_92 = arith.index_cast %parallel_loop3A_51 : i32 to index
        %parallel_loop3A_93 = arith.constant 96 : index
        %parallel_loop3A_94 = tpu.vector_load %arg15[%parallel_loop3A_92, %parallel_loop3A_93] {strides = array<i32>} : memref<128x256xf32, #tpu.memory_space<vmem>>, vector<1x16xf32>,
        %parallel_loop3A_95 = vector.shape_cast %parallel_loop3A_94 : vector<1x16xf32> to vector<16xf32>
        %parallel_loop3A_96 = vector.shape_cast %parallel_loop3A_91 : vector<16xf32> to vector<1x16xf32>
        tpu.vector_store %arg15[%parallel_loop3A_92, %parallel_loop3A_93], %parallel_loop3A_96 {strides = array<i32>} : memref<128x256xf32, #tpu.memory_space<vmem>>, vector<1x16xf32>,
        %parallel_loop3A_97 = arith.index_cast %parallel_loop3A_51 : i32 to index
        %parallel_loop3A_98 = arith.constant 32 : index
        %parallel_loop3A_99 = tpu.vector_load %arg17[%parallel_loop3A_97, %parallel_loop3A_98] {strides = array<i32>} : memref<128x128xf32, #tpu.memory_space<vmem>>, vector<1x16xf32>,
        %parallel_loop3A_100 = vector.shape_cast %parallel_loop3A_99 : vector<1x16xf32> to vector<16xf32>
        %parallel_loop3A_101 = arith.index_cast %parallel_loop3A_51 : i32 to index
        %parallel_loop3A_102 = arith.constant 224 : index
        %parallel_loop3A_103 = tpu.vector_load %arg15[%parallel_loop3A_101, %parallel_loop3A_102] {strides = array<i32>} : memref<128x256xf32, #tpu.memory_space<vmem>>, vector<1x16xf32>,
        %parallel_loop3A_104 = vector.shape_cast %parallel_loop3A_103 : vector<1x16xf32> to vector<16xf32>
        %parallel_loop3A_105 = vector.shape_cast %parallel_loop3A_100 : vector<16xf32> to vector<1x16xf32>
        tpu.vector_store %arg15[%parallel_loop3A_101, %parallel_loop3A_102], %parallel_loop3A_105 {strides = array<i32>} : memref<128x256xf32, #tpu.memory_space<vmem>>, vector<1x16xf32>,
        %parallel_loop3A_106 = arith.index_cast %parallel_loop3A_51 : i32 to index
        %parallel_loop3A_107 = arith.constant 48 : index
        %parallel_loop3A_108 = tpu.vector_load %arg16[%parallel_loop3A_106, %parallel_loop3A_107] {strides = array<i32>} : memref<128x128xf32, #tpu.memory_space<vmem>>, vector<1x16xf32>,
        %parallel_loop3A_109 = vector.shape_cast %parallel_loop3A_108 : vector<1x16xf32> to vector<16xf32>
        %parallel_loop3A_110 = arith.index_cast %parallel_loop3A_51 : i32 to index
        %parallel_loop3A_111 = arith.constant 112 : index
        %parallel_loop3A_112 = tpu.vector_load %arg15[%parallel_loop3A_110, %parallel_loop3A_111] {strides = array<i32>} : memref<128x256xf32, #tpu.memory_space<vmem>>, vector<1x16xf32>,
        %parallel_loop3A_113 = vector.shape_cast %parallel_loop3A_112 : vector<1x16xf32> to vector<16xf32>
        %parallel_loop3A_114 = vector.shape_cast %parallel_loop3A_109 : vector<16xf32> to vector<1x16xf32>
        tpu.vector_store %arg15[%parallel_loop3A_110, %parallel_loop3A_111], %parallel_loop3A_114 {strides = array<i32>} : memref<128x256xf32, #tpu.memory_space<vmem>>, vector<1x16xf32>,
        %parallel_loop3A_115 = arith.index_cast %parallel_loop3A_51 : i32 to index
        %parallel_loop3A_116 = arith.constant 48 : index
        %parallel_loop3A_117 = tpu.vector_load %arg17[%parallel_loop3A_115, %parallel_loop3A_116] {strides = array<i32>} : memref<128x128xf32, #tpu.memory_space<vmem>>, vector<1x16xf32>,
        %parallel_loop3A_118 = vector.shape_cast %parallel_loop3A_117 : vector<1x16xf32> to vector<16xf32>
        %parallel_loop3A_119 = arith.index_cast %parallel_loop3A_51 : i32 to index
        %parallel_loop3A_120 = arith.constant 240 : index
        %parallel_loop3A_121 = tpu.vector_load %arg15[%parallel_loop3A_119, %parallel_loop3A_120] {strides = array<i32>} : memref<128x256xf32, #tpu.memory_space<vmem>>, vector<1x16xf32>,
        %parallel_loop3A_122 = vector.shape_cast %parallel_loop3A_121 : vector<1x16xf32> to vector<16xf32>
        %parallel_loop3A_123 = vector.shape_cast %parallel_loop3A_118 : vector<16xf32> to vector<1x16xf32>
        tpu.vector_store %arg15[%parallel_loop3A_119, %parallel_loop3A_120], %parallel_loop3A_123 {strides = array<i32>} : memref<128x256xf32, #tpu.memory_space<vmem>>, vector<1x16xf32>,
      } {sc.loop_unroll_factor = 8 : i64, sc.parallel_access}
      "tpu.region"() ({
        %run_scoped3A = tpu.sem_alloc : memref<!tpu.dma_semaphore, #tpu.memory_space<semaphore_mem>>
        %dma_start3A_51 = arith.constant 0 : i32
        %dma_start3A_52 = tpu.memref_slice %arg10[%add3A_14, %dma_start3A_51] : memref<819200x256xf32, #tpu.memory_space<hbm>> -> memref<128x256xf32, #tpu.memory_space<hbm>>
        %dma_start3A_53 = arith.constant 0 : i32
        %dma_start3A_54 = tpu.memref_slice %arg10[%add3A_14, %dma_start3A_53] : memref<819200x256xf32, #tpu.memory_space<hbm>> -> memref<128x256xf32, #tpu.memory_space<hbm>>
        tpu.enqueue_dma source(%arg15 : memref<128x256xf32, #tpu.memory_space<vmem>>) target(%dma_start3A_54 : memref<128x256xf32, #tpu.memory_space<hbm>>) target_semaphore(%run_scoped3A : memref<!tpu.dma_semaphore, #tpu.memory_space<semaphore_mem>>)
        %dma_wait3A_55 = arith.constant 0 : i32
        %dma_wait3A_56 = tpu.memref_slice %arg10[%add3A_14, %dma_wait3A_55] : memref<819200x256xf32, #tpu.memory_space<hbm>> -> memref<128x256xf32, #tpu.memory_space<hbm>>
        %dma_wait3A_57 = arith.constant 0 : i32
        %dma_wait3A_58 = tpu.memref_slice %arg10[%add3A_14, %dma_wait3A_57] : memref<819200x256xf32, #tpu.memory_space<hbm>> -> memref<128x256xf32, #tpu.memory_space<hbm>>
        tpu.wait_dma2 semaphore(%run_scoped3A : memref<!tpu.dma_semaphore, #tpu.memory_space<semaphore_mem>>) src(%arg15 : memref<128x256xf32, #tpu.memory_space<vmem>>) dst(%dma_wait3A_58 : memref<128x256xf32, #tpu.memory_space<hbm>>)
        tpu.yield
      }) : () -> ()
    }
    %scan3A_6 = arith.constant 200 : i32
    return
  }
}

</mosaic_0001>

<sc_bundles>
// kernel: kernel.3.cloned.1.call-start
scs
__scs_entry_jumppad:
0x0: {  	(pc) =	sbr.rel $0x88, $3  }
0x1: {  	(tag) =	ssettag $0x0;
	lr =	simm.s32 $0x1  }
0x2: {  	[smem:$0x3F99] =	sst lr;
	_ =	strace $0xD0000000  }
0x3: {  	_ = 	snop  }
0x4: {  	_ = 	snop  }
0x5: {  	_ = 	snop  }
0x6: {  	_ = 	snop  }
0x7: {  	_ = 	snop  }
__scs_overlays_trampoline_lowered:
0x8: {  	[smem:$0x3FA8] =	sst s0  }
0x9: {  	[smem:$0x3FA9] =	sst s1  }
0xa: {  	[smem:$0x3FAA] =	sst s2  }
0xb: {  	[smem:$0x3FAB] =	sst s3  }
0xc: {  	[smem:$0x3FAC] =	sst s4  }
0xd: {  	[smem:$0x3FAD] =	sst s5  }
0xe: {  	[smem:$0x3FAE] =	sst s6  }
0xf: {  	[smem:$0x3FAF] =	sst s7  }
0x10: {  	[smem:$0x3FB0] =	sst s8  }
0x11: {  	[smem:$0x3FB1] =	sst s9;
	s0 =	simm.s32 @!p0 $0x0  }
0x12: {  	s1 =	sld [smem:$0x3F97];
	s0 =	simm.s32 @p0 $0x1  }
0x13: {  	[smem:$0x3FB2] =	sst s0;
	s0 =	simm.s32 @!p1 $0x0  }
0x14: {  	s2 =	sld [smem:$0x3F96];
	s0 =	simm.s32 @p1 $0x1  }
0x15: {  	[smem:$0x3FB3] =	sst s0;
	s0 =	simm.s32 @!p2 $0x0  }
0x16: {  	s3 =	sld [smem:$0x3FDB];
	s0 =	simm.s32 @p2 $0x1  }
0x17: {  	s4 =	simm.s32 $0x1BF5;
	[smem:$0x3FB5] =	sst s0  }
0x18: {  	s0 =	sld [smem:$0x3F98];
	_ =	swait.ge [sflag:s4], $0x0  }
0x19: {  	s7 =	sld [smem:$0x3F99]  }
0x1a: {  	s8 =	sadd.s32 $0xFFFFE003, lr  }
0x1b: {  	s9 =	sadd.s32 $0xFFFFFEF7, lr;
	s5 =	simm.s32 $0xFFFFFFFF;
	p2 =	slt.u32 s8, $0xFFFFF086  }
0x1c: {  	p1 =	slt.u32 s9, $0xF7A;
	s5 =	simm.s32 @!p2 $0x0  }
0x1d: {  	s5 =	simm.s32 @p1 $0x1;
	p0 =	seq.s32 s7, s2  }
0x1e: {  	s7 =	smul.u32 @!p0 $0xF7A, s2;
	p2 =	seq.s32 @!p0 s5, $0x0  }
0x1f: {  	s9 =	smul.u32 $0xF7A, s1;
	s8 =	simm.s32 @!p0 $0x1BF5;
	p2 =	por !p2, p0  }
0x20: {  	[sflag:s8] =	ssyncset.s32 @!p0 $0xFFFFF086;
	s6 =	sadd.s32 @!p0 s3, s7;
	s7 =	simm.s32 @!p0 $0x108  }
0x21: {  	s3 =	sadd.s32 s3, s9;
	s6 =	sadd.s32 @!p0 $0x88, s6;
	s7 =	simm.s32 @p2 $0x1082  }
0x22: {  	[simem:s7], [sflag:s8] =	dma.local @!p0 [hbm:s6], $0xF7A  }
0x23: {  	s9 =	sor.u32 $0xD0000000, s2;
	s6 =	simm.s32 $0x108;
	_ =	swait.ge @!p0 [sflag:s8], $0x0  }
0x24: {  	s3 =	sadd.s32 $0x88, s3;
	s6 =	simm.s32 @!p1 $0x1082;
	[sflag:s4] =	ssyncset.s32 $0xFFFFF086  }
0x25: {  	[simem:s6], [sflag:s4] =	dma.local [hbm:s3], $0xF7A  }
0x26: {  	[smem:$0x3F99] =	sst s1;
	(tag) =	ssettag s2;
	_ =	strace s9  }
0x27: {  	s1 =	sld [smem:$0x3FA9]  }
0x28: {  	s2 =	sld [smem:$0x3FAA]  }
0x29: {  	s4 =	sld [smem:$0x3FAC]  }
0x2a: {  	p0 =	seq.s32 s5, $0x0;
	s5 =	sld [smem:$0x3FAD]  }
0x2b: {  	s6 =	sld [smem:$0x3FAE]  }
0x2c: {  	s7 =	sld [smem:$0x3FAF]  }
0x2d: {  	s3 =	simm.s32 $0x108;
	s8 =	sld [smem:$0x3FB0]  }
0x2e: {  	s3 =	simm.s32 @!p0 $0x1082;
	s9 =	sld [smem:$0x3FB1]  }
0x2f: {  	lr =	sadd.s32 s0, s3;
	s0 =	sld [smem:$0x3FA8]  }
0x30: {  	s3 =	sld [smem:$0x3FAB]  }
0x31: {  	[smem:$0x3FB4] =	sst s10  }
0x32: {  	s10 =	sld [smem:$0x3FB2];
	_ =	sdelay $0x3  }
0x33: {  	p0 =	seq.s32 s10, $0x1;
	s10 =	sld [smem:$0x3FB4];
	_ =	sdelay $0x3  }
0x34: {  	[smem:$0x3FB4] =	sst s10  }
0x35: {  	s10 =	sld [smem:$0x3FB3];
	_ =	sdelay $0x3  }
0x36: {  	p1 =	seq.s32 s10, $0x1;
	s10 =	sld [smem:$0x3FB4];
	_ =	sdelay $0x3  }
0x37: {  	[smem:$0x3FB4] =	sst s10  }
0x38: {  	s10 =	sld [smem:$0x3FB5]  }
0x39: {  	_ = 	snop;
	(pc) =	sbr.ind lr, $3  }
0x3a: {  	_ = 	snop  }
0x3b: {  	_ = 	snop  }
0x3c: {  	p2 =	seq.s32 s10, $0x1;
	s10 =	sld [smem:$0x3FB4]  }
0x3d: {  	_ =	shalt  }
0x3e: {  	_ =	shalt  }
0x3f: {  	_ =	shalt  }
0x40: {  	_ =	shalt  }
0x41: {  	_ =	shalt  }
0x42: {  	_ =	shalt  }
0x43: {  	_ =	shalt  }
0x44: {  	_ =	shalt  }
0x45: {  	_ =	shalt  }
0x46: {  	_ =	shalt  }
0x47: {  	_ =	shalt  }
0x48: {  	_ =	shalt  }
0x49: {  	_ =	shalt  }
0x4a: {  	_ =	shalt  }
0x4b: {  	_ =	shalt  }
0x4c: {  	_ =	shalt  }
0x4d: {  	_ =	shalt  }
0x4e: {  	_ =	shalt  }
0x4f: {  	_ =	shalt  }
0x50: {  	_ =	shalt  }
0x51: {  	_ =	shalt  }
0x52: {  	_ =	shalt  }
0x53: {  	_ =	shalt  }
0x54: {  	_ =	shalt  }
0x55: {  	_ =	shalt  }
0x56: {  	_ =	shalt  }
0x57: {  	_ =	shalt  }
0x58: {  	_ =	shalt  }
0x59: {  	_ =	shalt  }
0x5a: {  	_ =	shalt  }
0x5b: {  	_ =	shalt  }
0x5c: {  	_ =	shalt  }
0x5d: {  	_ =	shalt  }
0x5e: {  	_ =	shalt  }
0x5f: {  	_ =	shalt  }
0x60: {  	_ =	shalt  }
0x61: {  	_ =	shalt  }
0x62: {  	_ =	shalt  }
0x63: {  	_ =	shalt  }
0x64: {  	_ =	shalt  }
0x65: {  	_ =	shalt  }
0x66: {  	_ =	shalt  }
0x67: {  	_ =	shalt  }
0x68: {  	_ =	shalt  }
0x69: {  	_ =	shalt  }
0x6a: {  	_ =	shalt  }
0x6b: {  	_ =	shalt  }
0x6c: {  	_ =	shalt  }
0x6d: {  	_ =	shalt  }
0x6e: {  	_ =	shalt  }
0x6f: {  	_ =	shalt  }
0x70: {  	_ =	shalt  }
0x71: {  	_ =	shalt  }
0x72: {  	_ =	shalt  }
0x73: {  	_ =	shalt  }
0x74: {  	_ =	shalt  }
0x75: {  	_ =	shalt  }
0x76: {  	_ =	shalt  }
0x77: {  	_ =	shalt  }
0x78: {  	_ =	shalt  }
0x79: {  	_ =	shalt  }
0x7a: {  	_ =	shalt  }
0x7b: {  	_ =	shalt  }
0x7c: {  	_ =	shalt  }
0x7d: {  	_ =	shalt  }
0x7e: {  	_ =	shalt  }
0x7f: {  	_ =	shalt  }
0x80: {  	_ =	shalt  }
0x81: {  	_ =	shalt  }
0x82: {  	_ =	shalt  }
0x83: {  	_ =	shalt  }
0x84: {  	_ =	shalt  }
0x85: {  	_ =	shalt  }
0x86: {  	_ =	shalt  }
0x87: {  	_ =	shalt  }
.Lfunc_end0:
.L_simem_size_0:
called_computation_lowered:
.L_overlay_start_0:
0x88: {  	s2 =	sld [smem:$0x3FD9]  }
0x89: {  	s3 =	sld [smem:$0x3FFE];
	_ =	sdelay $0x1  }
0x8a: {  	s1 =	srdreg.scid  }
0x8b: {  	s0 =	sand.u32 $0x1, s1  }
0x8c: {  	s17 =	sshll.u32 s0, $0xA;
	s2 =	sadd.s32 s3, s2  }
0x8d: {  	s2 =	sadd.s32 s2, s17  }
0x8e: {  	[smem:$0x3FC0] =	sst s2  }
0x8f: {  	_ = 	snop  }
0x90: {  	s2 =	sld [smem:$0x3FD0];
	(tm) =	ssettm $0x1  }
0x91: {  	s18 =	sld [smem:$0x3FFB];
	_ =	sdelay $0x3  }
0x92: {  	_ =	strace s18  }
0x93: {  	s3 =	sld [smem:$0x3FFC];
	_ =	sdelay $0x3  }
0x94: {  	_ =	strace s3  }
0x95: {  	s3 =	sld [smem:$0x3FFD];
	_ =	sdelay $0x3  }
0x96: {  	_ =	strace s3  }
0x97: {  	_ =	strace $0x8FFFFFFF  }
0x98: {  	s19 =	sld [smem:$0x3FDB];
	_ =	sdelay $0x1  }
0x99: {  	s4 =	simm.s32 $_scs_section_size  }
0x9a: {  	s5 =	simm.s32 $_size__tile_overlayer_lowered;
	s6 =	simm.s32 $_tile_overlayer_lowered  }
0x9b: {  	s22 =	simm.s32 $0x1BFF;
	s21 =	sshll.u32 s6, $0x1;
	s3 =	sadd.s32 s4, s19  }
0x9c: {  	s7 =	simm.s32 $0x0;
	s20 =	sshll.u32 s5, $0x1;
	s5 =	sadd.s32 s21, s3  }
0x9d: {  	[timem:s7], [sflag:s22] =	dma.local [hbm:s5], s20  }
0x9e: {  	_ =	swait.ge [sflag:s22], s20  }
0x9f: {  	s4 =	ssub.s32 $0x0, s20;
	[sflag:s22] =	ssyncset.done $0x0  }
0xa0: {  	[sflag:s22] =	ssyncadd.s32 s4;
	_ =	sdelay $0x1  }
0xa1: {  	s23 =	simm.s32 $0x1B8B  }
0xa2: {  	_ =	swait.ge [sflag:s23], $0x1  }
0xa3: {  	[sflag:s23] =	ssyncset.done $0x0  }
0xa4: {  	s25 =	simm.s32 $0x1B8E;
	s24 =	sld [smem:$0x3FFE];
	[sflag:s23] =	ssyncadd.s32 $0xFFFFFFFF  }
0xa5: {  	s26 =	simm.s32 $execute0_lowered;
	[smem:$0x3FD2] =	sst s25  }
0xa6: {  	s5 =	sshll.u32 s26, $0x1;
	_ =	strace $0x80000046;
	[dreg:$0x1] =	wrdreg $0xFFFFFFFF  }
0xa7: {  	s28 =	simm.s32 $_size_execute0_lowered;
	s3 =	sadd.s32 s3, s5;
	[dreg:$0x0] =	wrdreg $0x0  }
0xa8: {  	s5 =	sshll.u32 s28, $0x1;
	[dreg:$0x2] =	wrdreg s3  }
0xa9: {  	[dreg:$0x3] =	wrdreg s5  }
0xaa: {  	[dreg:$0x4] =	wrdreg $0xC0  }
0xab: {  	_ =	task [dreg:s7], $0x5FFFF  }
0xac: {  	[dreg:$0x1] =	wrdreg $0xFFFFFFFF  }
0xad: {  	[dreg:$0x0] =	wrdreg $0x60  }
0xae: {  	[dreg:$0x2] =	wrdreg s24  }
0xaf: {  	[dreg:$0x3] =	wrdreg s2  }
0xb0: {  	[dreg:$0x4] =	wrdreg $0x9  }
0xb1: {  	_ =	task.clear_ibuf [dreg:s7], $0x5FFFF;
	_ =	strace $0x90000046  }
0xb2: {  	s29 =	simm.s32 $0x9;
	_ =	strace $0x80000048  }
0xb3: {  	_ =	swait.ge [sflag:s29], $0x1  }
0xb4: {  	[sflag:s29] =	ssyncadd.s32 $0xFFFFFFFF  }
0xb5: {  	_ =	strace $0x90000048  }
0xb6: {  	_ =	sfence  }
0xb7: {  	s30 =	sld [smem:$0x0];
	_ =	sdelay $0x2  }
0xb8: {  	s31 =	sshll.u32 s1, $0xD;
	s1 =	sshrl.u32 s1, $0x2  }
0xb9: {  	s3 =	sand.u32 $0x4000, s31;
	s1 =	sadd.s32 s1, s30  }
0xba: {  	s0 =	sor.u32 s3, s0;
	s1 =	sshll.u32 s1, $0x11  }
0xbb: {  	s0 =	sor.u32 s1, s0  }
0xbc: {  	s0 =	sadd.s32 $0x8F2B, s0  }
0xbd: {  	[sflag:s0] =	ssyncadd.remote.s32 $0x1  }
0xbe: {  	_ =	sfence.sel $0xFFFF  }
0xbf: {  	[dreg:$0x0] =	wrdreg $0xFFFFFFFF;
	(pc) =	sbr.abs _section_cstart, $3  }
0xc0: {  	[dreg:$0x1] =	wrdreg $0xFFFFFFFF  }
0xc1: {  	_ =	task.clear_ibuf [dreg:s7], $0x2FFFF;
	_ =	strace $0x9FFFFFFF  }
0xc2: {  	(tm) =	ssettm $0x7FFFFFFF  }
0xc3: {  	_ =	shalt  }
tec
execute0_lowered:
.L_overlay_start_1:
0x0: {  	(tag) =	ssettag $0x1  }
0x1: {  	s0 =	rddreg [dreg:$0x0];
	s2 =	simm.s32 $0x0;
	s1 =	srdreg.scid  }
0x2: {  	s11 =	stileid.u32;
	s14 =	simm.s32 $0x2;
	s15 =	simm.s32 $0x80  }
0x3: {  	s17 =	simm.s32 $0x180;
	s18 =	simm.s32 $0x200;
	s25 =	simm.s32 $0x4600  }
0x4: {  	s28 =	simm.s32 $0x5600;
	s29 =	simm.s32 $0x5E00;
	s30 =	simm.s32 $0x6600  }
0x5: {  	s31 =	simm.s32 $0x6E00;
	s16 =	simm.s32 $0x1;
	s20 =	simm.s32 $0x0  }
0x6: {  	[smem:$0x7FF] =	sst s2;
	s3 =	sadd.s32 $0x4000, s0;
	s4 =	sadd.s32 $0x1D000, s0  }
0x7: {  	s5 =	sadd.s32 $0x36000, s0;
	s7 =	sadd.s32 $0x4F000, s0;
	s8 =	sadd.s32 $0x1EEA00, s0  }
0x8: {  	s1 =	sand.u32 $0x1, s1;
	s9 =	sadd.s32 $0x375400, s0;
	s10 =	sadd.s32 $0x68000, s0  }
0x9: {  	s13 =	sshll.u32 s11, $0x1;
	s11 =	sadd.s32 $0x4FBE00, s0;
	s6 =	ssub.s32 $0x2, s1  }
0xa: {  	_ =	strace $0x80000047;
	s1 =	sor.u32 s1, s13;
	s12 =	sshrl.u32 s6, $0x1  }
0xb: {  	v2 =	vlaneseq.u32;
	s13 =	simm.s32 $0x8200;
	s26 =	ssub.s32 s6, s12;
	s12 =	smul.u32 $0x6400, s1  }
0xc: {  	vm0 =	vmmov $0xff;
	v1 =	vshrl.u32 v2, $0x3;
	s6 =	simm.s32 $0x7E00;
	s1 =	simm.s32 $0xC200;
	s0 =	smax.u32 s26, $0x1  }
0xd: {  	v0 =	vand.u32 $0x7, v2;
	v2 =	vor.u32 $0x8, v2;
	v1 =	vmul.u32 $0x8, v1;
	s26 =	simm.s32 $0x4E00;
	[dreg:$0x3] =	wrdreg s0;
	s0 =	simm.s32 $0x7600  }
.LBB2_1:
0xe: {  	[dreg:$0x4] =	wrdreg s20;
	s19 =	simm.s32 $0x0  }
.LBB2_2:
0xf: {  	s20 =	sshll.u32 s19, $0x7  }
0x10: {  	s20 =	sadd.s32 s12, s20  }
0x11: {  	s21 =	sshrl.u32 s20, $0x3  }
0x12: {  	s22 =	sadd.s32 s3, s21  }
0x13: {  	[tilespmem:s2], [sflag:$0x2] =	stream.linear.gather [hbm4b:s22+s2], $0x80, $0x38;
	[tilespmem:$0x10200] =	vst v63  }
0x14: {  	_ =	swait.ge [sflag:s14], $0x80  }
0x15: {  	[sflag:s14] =	ssyncset.done $0x0  }
0x16: {  	s23 =	sadd.s32 s4, s21;
	[sflag:s14] =	ssyncadd.s32 $0xFFFFFF80  }
0x17: {  	[tilespmem:s15], [sflag:$0x2] =	stream.linear.gather [hbm4b:s23+s2], $0x80, $0x38;
	[tilespmem:$0x10200] =	vst v63  }
0x18: {  	_ =	swait.ge [sflag:s14], $0x80  }
0x19: {  	[sflag:s14] =	ssyncset.done $0x0  }
0x1a: {  	s24 =	sadd.s32 s5, s21;
	s23 =	simm.s32 $0x100;
	[sflag:s14] =	ssyncadd.s32 $0xFFFFFF80  }
0x1b: {  	[tilespmem:s23], [sflag:$0x2] =	stream.linear.gather [hbm4b:s24+s2], $0x80, $0x38;
	[tilespmem:$0x10200] =	vst v63  }
0x1c: {  	_ =	swait.ge [sflag:s14], $0x80  }
0x1d: {  	[sflag:s14] =	ssyncset.done $0x0  }
0x1e: {  	s21 =	sadd.s32 s7, s21;
	[sflag:s14] =	ssyncadd.s32 $0xFFFFFF80  }
0x1f: {  	[tilespmem:s17], [sflag:$0x2] =	stream.linear.gather [hbm4b:s21+s2], $0x80, $0x38;
	[tilespmem:$0x10200] =	vst v63  }
0x20: {  	_ =	swait.ge [sflag:s14], $0x80  }
0x21: {  	[sflag:s14] =	ssyncset.done $0x0  }
0x22: {  	[sflag:s14] =	ssyncadd.s32 $0xFFFFFF80  }
0x23: {  	v3 =	vld [tilespmem:$0x0];
	_ =	sdelay $0x4  }
0x24: {  	v4 =	vperm.xlane v3, v0;
	_ =	sdelay $0x1  }
0x25: {  	v3 =	vperm.xlane v3, v2;
	v4 =	vadd.s32 v1, v4;
	_ =	sdelay $0x1  }
0x26: {  	v3 =	vadd.s32 v1, v3;
	_ =	sdelay $0x2  }
0x27: {  	[tilespmem:s18], [sflag:$0x1] =	stream.indirect_vreg.gather [hbm4b:s8+s2], $0x80, v4, vm0, $0xb8;
	[tilespmem:$0x10200] =	vst v63  }
0x28: {  	s22 =	simm.s32 $0xA00  }
0x29: {  	[tilespmem:s22], [sflag:$0x1] =	stream.indirect_vreg.gather [hbm4b:s8+s2], $0x80, v3, vm0, $0xb8;
	[tilespmem:$0x10200] =	vst v63  }
0x2a: {  	v3 =	vld [tilespmem:$0x10];
	_ =	sdelay $0x4  }
0x2b: {  	v4 =	vperm.xlane v3, v0;
	_ =	sdelay $0x1  }
0x2c: {  	v3 =	vperm.xlane v3, v2;
	v4 =	vadd.s32 v1, v4;
	_ =	sdelay $0x1  }
0x2d: {  	v3 =	vadd.s32 v1, v3;
	_ =	sdelay $0x1  }
0x2e: {  	s23 =	simm.s32 $0x1200  }
0x2f: {  	[tilespmem:s23], [sflag:$0x1] =	stream.indirect_vreg.gather [hbm4b:s8+s2], $0x80, v4, vm0, $0xb8;
	[tilespmem:$0x10200] =	vst v63  }
0x30: {  	s24 =	simm.s32 $0x1A00  }
0x31: {  	[tilespmem:s24], [sflag:$0x1] =	stream.indirect_vreg.gather [hbm4b:s8+s2], $0x80, v3, vm0, $0xb8;
	[tilespmem:$0x10200] =	vst v63  }
0x32: {  	v3 =	vld [tilespmem:$0x20];
	_ =	sdelay $0x4  }
0x33: {  	v4 =	vperm.xlane v3, v0;
	_ =	sdelay $0x1  }
0x34: {  	v3 =	vperm.xlane v3, v2;
	v4 =	vadd.s32 v1, v4;
	_ =	sdelay $0x1  }
0x35: {  	v3 =	vadd.s32 v1, v3;
	_ =	sdelay $0x1  }
0x36: {  	s22 =	simm.s32 $0x2200  }
0x37: {  	[tilespmem:s22], [sflag:$0x1] =	stream.indirect_vreg.gather [hbm4b:s8+s2], $0x80, v4, vm0, $0xb8;
	[tilespmem:$0x10200] =	vst v63  }
0x38: {  	s23 =	simm.s32 $0x2A00  }
0x39: {  	[tilespmem:s23], [sflag:$0x1] =	stream.indirect_vreg.gather [hbm4b:s8+s2], $0x80, v3, vm0, $0xb8;
	[tilespmem:$0x10200] =	vst v63  }
0x3a: {  	v3 =	vld [tilespmem:$0x30];
	_ =	sdelay $0x4  }
0x3b: {  	v4 =	vperm.xlane v3, v0;
	_ =	sdelay $0x1  }
0x3c: {  	v3 =	vperm.xlane v3, v2;
	v4 =	vadd.s32 v1, v4;
	_ =	sdelay $0x1  }
0x3d: {  	v3 =	vadd.s32 v1, v3;
	_ =	sdelay $0x1  }
0x3e: {  	s24 =	simm.s32 $0x3200  }
0x3f: {  	[tilespmem:s24], [sflag:$0x1] =	stream.indirect_vreg.gather [hbm4b:s8+s2], $0x80, v4, vm0, $0xb8;
	[tilespmem:$0x10200] =	vst v63  }
0x40: {  	s22 =	simm.s32 $0x3A00  }
0x41: {  	[tilespmem:s22], [sflag:$0x1] =	stream.indirect_vreg.gather [hbm4b:s8+s2], $0x80, v3, vm0, $0xb8;
	[tilespmem:$0x10200] =	vst v63  }
0x42: {  	v3 =	vld [tilespmem:$0x40];
	_ =	sdelay $0x4  }
0x43: {  	v4 =	vperm.xlane v3, v0;
	_ =	sdelay $0x1  }
0x44: {  	v3 =	vperm.xlane v3, v2;
	v4 =	vadd.s32 v1, v4;
	_ =	sdelay $0x1  }
0x45: {  	v3 =	vadd.s32 v1, v3;
	_ =	sdelay $0x1  }
0x46: {  	s23 =	simm.s32 $0x4200  }
0x47: {  	[tilespmem:s23], [sflag:$0x1] =	stream.indirect_vreg.gather [hbm4b:s8+s2], $0x80, v4, vm0, $0xb8;
	[tilespmem:$0x10200] =	vst v63  }
0x48: {  	s24 =	simm.s32 $0x4A00  }
0x49: {  	[tilespmem:s24], [sflag:$0x1] =	stream.indirect_vreg.gather [hbm4b:s8+s2], $0x80, v3, vm0, $0xb8;
	[tilespmem:$0x10200] =	vst v63  }
0x4a: {  	v3 =	vld [tilespmem:$0x50];
	_ =	sdelay $0x4  }
0x4b: {  	v4 =	vperm.xlane v3, v0;
	_ =	sdelay $0x1  }
0x4c: {  	v3 =	vperm.xlane v3, v2;
	v4 =	vadd.s32 v1, v4;
	_ =	sdelay $0x1  }
0x4d: {  	v3 =	vadd.s32 v1, v3;
	_ =	sdelay $0x1  }
0x4e: {  	s22 =	simm.s32 $0x5200  }
0x4f: {  	[tilespmem:s22], [sflag:$0x1] =	stream.indirect_vreg.gather [hbm4b:s8+s2], $0x80, v4, vm0, $0xb8;
	[tilespmem:$0x10200] =	vst v63  }
0x50: {  	s23 =	simm.s32 $0x5A00  }
0x51: {  	[tilespmem:s23], [sflag:$0x1] =	stream.indirect_vreg.gather [hbm4b:s8+s2], $0x80, v3, vm0, $0xb8;
	[tilespmem:$0x10200] =	vst v63  }
0x52: {  	v3 =	vld [tilespmem:$0x60];
	_ =	sdelay $0x4  }
0x53: {  	v4 =	vperm.xlane v3, v0;
	_ =	sdelay $0x1  }
0x54: {  	v3 =	vperm.xlane v3, v2;
	v4 =	vadd.s32 v1, v4;
	_ =	sdelay $0x1  }
0x55: {  	v3 =	vadd.s32 v1, v3;
	_ =	sdelay $0x1  }
0x56: {  	s24 =	simm.s32 $0x6200  }
0x57: {  	[tilespmem:s24], [sflag:$0x1] =	stream.indirect_vreg.gather [hbm4b:s8+s2], $0x80, v4, vm0, $0xb8;
	[tilespmem:$0x10200] =	vst v63  }
0x58: {  	s22 =	simm.s32 $0x6A00  }
0x59: {  	[tilespmem:s22], [sflag:$0x1] =	stream.indirect_vreg.gather [hbm4b:s8+s2], $0x80, v3, vm0, $0xb8;
	[tilespmem:$0x10200] =	vst v63  }
0x5a: {  	v3 =	vld [tilespmem:$0x70];
	_ =	sdelay $0x4  }
0x5b: {  	v4 =	vperm.xlane v3, v0;
	_ =	sdelay $0x1  }
0x5c: {  	v3 =	vperm.xlane v3, v2;
	v4 =	vadd.s32 v1, v4;
	_ =	sdelay $0x1  }
0x5d: {  	v3 =	vadd.s32 v1, v3;
	_ =	sdelay $0x1  }
0x5e: {  	s23 =	simm.s32 $0x7200  }
0x5f: {  	[tilespmem:s23], [sflag:$0x1] =	stream.indirect_vreg.gather [hbm4b:s8+s2], $0x80, v4, vm0, $0xb8;
	[tilespmem:$0x10200] =	vst v63  }
0x60: {  	s24 =	simm.s32 $0x7A00  }
0x61: {  	[tilespmem:s24], [sflag:$0x1] =	stream.indirect_vreg.gather [hbm4b:s8+s2], $0x80, v3, vm0, $0xb8;
	[tilespmem:$0x10200] =	vst v63  }
0x62: {  	v3 =	vld [tilespmem:$0x100];
	_ =	sdelay $0x4  }
0x63: {  	v4 =	vperm.xlane v3, v0;
	_ =	sdelay $0x1  }
0x64: {  	v3 =	vperm.xlane v3, v2;
	v4 =	vadd.s32 v1, v4;
	_ =	sdelay $0x1  }
0x65: {  	v3 =	vadd.s32 v1, v3;
	_ =	sdelay $0x1  }
0x66: {  	s22 =	simm.s32 $0x600  }
0x67: {  	[tilespmem:s22], [sflag:$0x1] =	stream.indirect_vreg.gather [hbm4b:s10+s2], $0x80, v4, vm0, $0xb8;
	[tilespmem:$0x10200] =	vst v63  }
0x68: {  	s23 =	simm.s32 $0xE00  }
0x69: {  	[tilespmem:s23], [sflag:$0x1] =	stream.indirect_vreg.gather [hbm4b:s10+s2], $0x80, v3, vm0, $0xb8;
	[tilespmem:$0x10200] =	vst v63  }
0x6a: {  	v3 =	vld [tilespmem:$0x110];
	_ =	sdelay $0x4  }
0x6b: {  	v4 =	vperm.xlane v3, v0;
	_ =	sdelay $0x1  }
0x6c: {  	v3 =	vperm.xlane v3, v2;
	v4 =	vadd.s32 v1, v4;
	_ =	sdelay $0x1  }
0x6d: {  	v3 =	vadd.s32 v1, v3;
	_ =	sdelay $0x1  }
0x6e: {  	s24 =	simm.s32 $0x1600  }
0x6f: {  	[tilespmem:s24], [sflag:$0x1] =	stream.indirect_vreg.gather [hbm4b:s10+s2], $0x80, v4, vm0, $0xb8;
	[tilespmem:$0x10200] =	vst v63  }
0x70: {  	s22 =	simm.s32 $0x1E00  }
0x71: {  	[tilespmem:s22], [sflag:$0x1] =	stream.indirect_vreg.gather [hbm4b:s10+s2], $0x80, v3, vm0, $0xb8;
	[tilespmem:$0x10200] =	vst v63  }
0x72: {  	v3 =	vld [tilespmem:$0x120];
	_ =	sdelay $0x4  }
0x73: {  	v4 =	vperm.xlane v3, v0;
	_ =	sdelay $0x1  }
0x74: {  	v3 =	vperm.xlane v3, v2;
	v4 =	vadd.s32 v1, v4;
	_ =	sdelay $0x1  }
0x75: {  	v3 =	vadd.s32 v1, v3;
	_ =	sdelay $0x1  }
0x76: {  	s23 =	simm.s32 $0x2600  }
0x77: {  	[tilespmem:s23], [sflag:$0x1] =	stream.indirect_vreg.gather [hbm4b:s10+s2], $0x80, v4, vm0, $0xb8;
	[tilespmem:$0x10200] =	vst v63  }
0x78: {  	s24 =	simm.s32 $0x2E00  }
0x79: {  	[tilespmem:s24], [sflag:$0x1] =	stream.indirect_vreg.gather [hbm4b:s10+s2], $0x80, v3, vm0, $0xb8;
	[tilespmem:$0x10200] =	vst v63  }
0x7a: {  	v3 =	vld [tilespmem:$0x130];
	_ =	sdelay $0x4  }
0x7b: {  	v4 =	vperm.xlane v3, v0;
	_ =	sdelay $0x1  }
0x7c: {  	v3 =	vperm.xlane v3, v2;
	v4 =	vadd.s32 v1, v4;
	_ =	sdelay $0x1  }
0x7d: {  	v3 =	vadd.s32 v1, v3;
	_ =	sdelay $0x1  }
0x7e: {  	s22 =	simm.s32 $0x3600  }
0x7f: {  	[tilespmem:s22], [sflag:$0x1] =	stream.indirect_vreg.gather [hbm4b:s10+s2], $0x80, v4, vm0, $0xb8;
	[tilespmem:$0x10200] =	vst v63  }
0x80: {  	s23 =	simm.s32 $0x3E00  }
0x81: {  	[tilespmem:s23], [sflag:$0x1] =	stream.indirect_vreg.gather [hbm4b:s10+s2], $0x80, v3, vm0, $0xb8;
	[tilespmem:$0x10200] =	vst v63  }
0x82: {  	v3 =	vld [tilespmem:$0x140];
	_ =	sdelay $0x4  }
0x83: {  	v4 =	vperm.xlane v3, v0;
	_ =	sdelay $0x1  }
0x84: {  	v3 =	vperm.xlane v3, v2;
	v4 =	vadd.s32 v1, v4;
	_ =	sdelay $0x1  }
0x85: {  	v3 =	vadd.s32 v1, v3;
	_ =	sdelay $0x2  }
0x86: {  	[tilespmem:s25], [sflag:$0x1] =	stream.indirect_vreg.gather [hbm4b:s10+s2], $0x80, v4, vm0, $0xb8;
	[tilespmem:$0x10200] =	vst v63  }
0x87: {  	_ = 	snop  }
0x88: {  	[tilespmem:s26], [sflag:$0x1] =	stream.indirect_vreg.gather [hbm4b:s10+s2], $0x80, v3, vm0, $0xb8;
	[tilespmem:$0x10200] =	vst v63  }
0x89: {  	v3 =	vld [tilespmem:$0x150];
	_ =	sdelay $0x4  }
0x8a: {  	v4 =	vperm.xlane v3, v0;
	_ =	sdelay $0x1  }
0x8b: {  	v3 =	vperm.xlane v3, v2;
	v4 =	vadd.s32 v1, v4;
	_ =	sdelay $0x1  }
0x8c: {  	v3 =	vadd.s32 v1, v3;
	_ =	sdelay $0x2  }
0x8d: {  	[tilespmem:s28], [sflag:$0x1] =	stream.indirect_vreg.gather [hbm4b:s10+s2], $0x80, v4, vm0, $0xb8;
	[tilespmem:$0x10200] =	vst v63  }
0x8e: {  	_ = 	snop  }
0x8f: {  	[tilespmem:s29], [sflag:$0x1] =	stream.indirect_vreg.gather [hbm4b:s10+s2], $0x80, v3, vm0, $0xb8;
	[tilespmem:$0x10200] =	vst v63  }
0x90: {  	v3 =	vld [tilespmem:$0x160];
	_ =	sdelay $0x4  }
0x91: {  	v4 =	vperm.xlane v3, v0;
	_ =	sdelay $0x1  }
0x92: {  	v3 =	vperm.xlane v3, v2;
	v4 =	vadd.s32 v1, v4;
	_ =	sdelay $0x1  }
0x93: {  	v3 =	vadd.s32 v1, v3;
	_ =	sdelay $0x2  }
0x94: {  	[tilespmem:s30], [sflag:$0x1] =	stream.indirect_vreg.gather [hbm4b:s10+s2], $0x80, v4, vm0, $0xb8;
	[tilespmem:$0x10200] =	vst v63  }
0x95: {  	_ = 	snop  }
0x96: {  	[tilespmem:s31], [sflag:$0x1] =	stream.indirect_vreg.gather [hbm4b:s10+s2], $0x80, v3, vm0, $0xb8;
	[tilespmem:$0x10200] =	vst v63  }
0x97: {  	v3 =	vld [tilespmem:$0x170];
	_ =	sdelay $0x4  }
0x98: {  	v4 =	vperm.xlane v3, v0;
	_ =	sdelay $0x1  }
0x99: {  	v3 =	vperm.xlane v3, v2;
	v4 =	vadd.s32 v1, v4;
	_ =	sdelay $0x1  }
0x9a: {  	v3 =	vadd.s32 v1, v3;
	_ =	sdelay $0x2  }
0x9b: {  	[tilespmem:s0], [sflag:$0x1] =	stream.indirect_vreg.gather [hbm4b:s10+s2], $0x80, v4, vm0, $0xb8;
	[tilespmem:$0x10200] =	vst v63  }
0x9c: {  	_ = 	snop  }
0x9d: {  	[tilespmem:s6], [sflag:$0x1] =	stream.indirect_vreg.gather [hbm4b:s10+s2], $0x80, v3, vm0, $0xb8;
	[tilespmem:$0x10200] =	vst v63  }
0x9e: {  	_ = 	snop  }
0x9f: {  	[tilespmem:s13], [sflag:$0x1] =	stream.indirect.gather [hbm4b:s9+s15], $0x80, s15, s15, $0xb8;
	[tilespmem:$0x10200] =	vst v63  }
0xa0: {  	_ = 	snop  }
0xa1: {  	[tilespmem:s1], [sflag:$0x1] =	stream.indirect.gather [hbm4b:s11+s15], $0x80, s17, s15, $0xb8;
	[tilespmem:$0x10200] =	vst v63  }
0xa2: {  	_ =	swait.ge [sflag:s16], $0x4000  }
0xa3: {  	[sflag:s16] =	ssyncset.done $0x0  }
0xa4: {  	[sflag:s16] =	ssyncadd.s32 $0xFFFFC000  }
0xa5: {  	_ =	swait.ge [sflag:s16], $0x4000  }
0xa6: {  	[sflag:s16] =	ssyncset.done $0x0  }
0xa7: {  	[sflag:s16] =	ssyncadd.s32 $0xFFFFC000  }
0xa8: {  	_ =	swait.ge [sflag:s16], $0x4000  }
0xa9: {  	[sflag:s16] =	ssyncset.done $0x0  }
0xaa: {  	[sflag:s16] =	ssyncadd.s32 $0xFFFFC000  }
0xab: {  	_ =	swait.ge [sflag:s16], $0x4000  }
0xac: {  	[sflag:s16] =	ssyncset.done $0x0  }
0xad: {  	s24 =	simm.s32 $0x8400;
	[sflag:s16] =	ssyncadd.s32 $0xFFFFC000  }
0xae: {  	v3 =	vld [tilespmem:s24+$0x180]  }
0xaf: {  	v4 =	vld [tilespmem:s24+$0xFFFFFE80]  }
0xb0: {  	v5 =	vld [tilespmem:s24+$0xFFFFFF00]  }
0xb1: {  	v6 =	vld [tilespmem:s24+$0xFFFFFF80]  }
0xb2: {  	s21 =	simm.s32 $0x640;
	v7 =	vld [tilespmem:s24+$0x0]  }
0xb3: {  	v8 =	vld [tilespmem:s24+$0x80];
	[tilespmem:s21+$0xFFFFFF80] =	vst v3  }
0xb4: {  	[tilespmem:s21+$0xFFFFFC80] =	vst v4;
	v4 =	vld [tilespmem:s24+$0x100]  }
0xb5: {  	s22 =	simm.s32 $0xC400;
	[tilespmem:s21+$0xFFFFFD00] =	vst v5;
	v5 =	vld [tilespmem:s24+$0xFFFFFE00]  }
0xb6: {  	[tilespmem:s21+$0xFFFFFD80] =	vst v6;
	v3 =	vld [tilespmem:s22+$0x180]  }
0xb7: {  	[tilespmem:s21+$0xFFFFFE00] =	vst v7;
	v6 =	vld [tilespmem:s22+$0xFFFFFE80]  }
0xb8: {  	[tilespmem:s21+$0xFFFFFE80] =	vst v8;
	v7 =	vld [tilespmem:s22+$0xFFFFFF00]  }
0xb9: {  	v8 =	vld [tilespmem:s22+$0xFFFFFF80];
	[tilespmem:s21+$0xFFFFFF00] =	vst v4  }
0xba: {  	[tilespmem:s21+$0xFFFFFC00] =	vst v5;
	v4 =	vld [tilespmem:s22+$0x0]  }
0xbb: {  	[tilespmem:s21+$0x380] =	vst v3;
	v5 =	vld [tilespmem:s22+$0xFFFFFE00]  }
0xbc: {  	[tilespmem:s21+$0x80] =	vst v6;
	v6 =	vld [tilespmem:s22+$0x80]  }
0xbd: {  	[tilespmem:s21+$0x100] =	vst v7;
	v3 =	vld [tilespmem:s24+$0x190]  }
0xbe: {  	[tilespmem:s21+$0x180] =	vst v8;
	v7 =	vld [tilespmem:s22+$0x100]  }
0xbf: {  	v8 =	vld [tilespmem:s24+$0xFFFFFE90];
	[tilespmem:s21+$0x200] =	vst v4  }
0xc0: {  	v4 =	vld [tilespmem:s24+$0xFFFFFF10];
	[tilespmem:s21+$0x0] =	vst v5  }
0xc1: {  	[tilespmem:s21+$0x280] =	vst v6;
	v6 =	vld [tilespmem:s24+$0xFFFFFF90]  }
0xc2: {  	[tilespmem:s21+$0xFFFFFF90] =	vst v3;
	v5 =	vld [tilespmem:s24+$0xFFFFFE10]  }
0xc3: {  	[tilespmem:s21+$0x300] =	vst v7;
	v3 =	vld [tilespmem:s22+$0x190]  }
0xc4: {  	v7 =	vld [tilespmem:s24+$0x10];
	[tilespmem:s21+$0xFFFFFC90] =	vst v8  }
0xc5: {  	v8 =	vld [tilespmem:s24+$0x90];
	[tilespmem:s21+$0xFFFFFD10] =	vst v4  }
0xc6: {  	v4 =	vld [tilespmem:s24+$0x110];
	[tilespmem:s21+$0xFFFFFD90] =	vst v6  }
0xc7: {  	v6 =	vld [tilespmem:s22+$0xFFFFFE90];
	[tilespmem:s21+$0xFFFFFC10] =	vst v5  }
0xc8: {  	[tilespmem:s21+$0x390] =	vst v3;
	v5 =	vld [tilespmem:s22+$0xFFFFFE10]  }
0xc9: {  	[tilespmem:s21+$0xFFFFFE10] =	vst v7;
	v3 =	vld [tilespmem:s24+$0x1A0]  }
0xca: {  	v7 =	vld [tilespmem:s22+$0xFFFFFF10];
	[tilespmem:s21+$0xFFFFFE90] =	vst v8  }
0xcb: {  	v8 =	vld [tilespmem:s22+$0xFFFFFF90];
	[tilespmem:s21+$0xFFFFFF10] =	vst v4  }
0xcc: {  	v4 =	vld [tilespmem:s22+$0x10];
	[tilespmem:s21+$0x90] =	vst v6  }
0xcd: {  	v6 =	vld [tilespmem:s22+$0x110];
	[tilespmem:s21+$0x10] =	vst v5  }
0xce: {  	v5 =	vld [tilespmem:s22+$0x90];
	[tilespmem:s21+$0xFFFFFFA0] =	vst v3  }
0xcf: {  	[tilespmem:s21+$0x110] =	vst v7;
	v3 =	vld [tilespmem:s22+$0x1A0]  }
0xd0: {  	[tilespmem:s21+$0x190] =	vst v8;
	v8 =	vld [tilespmem:s24+$0xFFFFFEA0]  }
0xd1: {  	v7 =	vld [tilespmem:s24+$0xFFFFFE20];
	[tilespmem:s21+$0x210] =	vst v4  }
0xd2: {  	v4 =	vld [tilespmem:s24+$0xFFFFFF20];
	[tilespmem:s21+$0x310] =	vst v6  }
0xd3: {  	v6 =	vld [tilespmem:s24+$0x20];
	[tilespmem:s21+$0x290] =	vst v5  }
0xd4: {  	v5 =	vld [tilespmem:s24+$0xFFFFFFA0];
	[tilespmem:s21+$0x3A0] =	vst v3  }
0xd5: {  	[tilespmem:s21+$0xFFFFFCA0] =	vst v8;
	v3 =	vld [tilespmem:s24+$0x1B0]  }
0xd6: {  	v8 =	vld [tilespmem:s24+$0x120];
	[tilespmem:s21+$0xFFFFFC20] =	vst v7  }
0xd7: {  	v7 =	vld [tilespmem:s24+$0xA0];
	[tilespmem:s21+$0xFFFFFD20] =	vst v4  }
0xd8: {  	v4 =	vld [tilespmem:s22+$0xFFFFFE20];
	[tilespmem:s21+$0xFFFFFE20] =	vst v6  }
0xd9: {  	[tilespmem:s21+$0xFFFFFDA0] =	vst v5;
	v5 =	vld [tilespmem:s22+$0xFFFFFEA0]  }
0xda: {  	v6 =	vld [tilespmem:s22+$0xFFFFFF20];
	[tilespmem:s21+$0xFFFFFFB0] =	vst v3  }
0xdb: {  	[tilespmem:s21+$0xFFFFFF20] =	vst v8;
	v3 =	vld [tilespmem:s22+$0x1B0]  }
0xdc: {  	v8 =	vld [tilespmem:s22+$0x20];
	[tilespmem:s21+$0xFFFFFEA0] =	vst v7  }
0xdd: {  	v7 =	vld [tilespmem:s22+$0xFFFFFFA0];
	[tilespmem:s21+$0x20] =	vst v4  }
0xde: {  	v4 =	vld [tilespmem:s22+$0x120];
	[tilespmem:s21+$0xA0] =	vst v5  }
0xdf: {  	[tilespmem:s21+$0x120] =	vst v6;
	v6 =	vld [tilespmem:s24+$0xFFFFFEB0]  }
0xe0: {  	[tilespmem:s21+$0x3B0] =	vst v3;
	v3 =	vld [tilespmem:s22+$0xA0]  }
0xe1: {  	[tilespmem:s21+$0x220] =	vst v8;
	v5 =	vld [tilespmem:s24+$0xFFFFFE30]  }
0xe2: {  	v9 =	vld [tilespmem:s24+$0x30];
	[tilespmem:s21+$0x1A0] =	vst v7  }
0xe3: {  	v7 =	vld [tilespmem:s24+$0xFFFFFF30];
	[tilespmem:s21+$0x320] =	vst v4  }
0xe4: {  	v8 =	vld [tilespmem:s24+$0xFFFFFFB0];
	[tilespmem:s21+$0xFFFFFCB0] =	vst v6  }
0xe5: {  	v6 =	vld [tilespmem:s24+$0x130];
	[tilespmem:s21+$0x2A0] =	vst v3  }
0xe6: {  	[tilespmem:s21+$0xFFFFFC30] =	vst v5;
	v5 =	vld [tilespmem:s24+$0xB0]  }
0xe7: {  	[tilespmem:s21+$0xFFFFFE30] =	vst v9;
	v10 =	vld [tilespmem:s22+$0xFFFFFE30]  }
0xe8: {  	[tilespmem:s21+$0xFFFFFD30] =	vst v7;
	v7 =	vld [tilespmem:s22+$0xFFFFFEB0]  }
0xe9: {  	[tilespmem:s21+$0xFFFFFDB0] =	vst v8;
	v3 =	vld [tilespmem:s22+$0xFFFFFF30]  }
0xea: {  	v4 =	vld [tilespmem:s22+$0xFFFFFFB0];
	[tilespmem:s21+$0xFFFFFF30] =	vst v6  }
0xeb: {  	[tilespmem:s21+$0xFFFFFEB0] =	vst v5;
	v5 =	vld [tilespmem:s22+$0x30]  }
0xec: {  	[tilespmem:s21+$0x30] =	vst v10;
	v6 =	vld [tilespmem:s22+$0xB0]  }
0xed: {  	s23 =	simm.s32 $0x0;
	s24 =	simm.s32 $0x8800;
	[tilespmem:s21+$0xB0] =	vst v7;
	v7 =	vld [tilespmem:s22+$0x130]  }
.LBB2_3:
0xee: {  	v8 =	vld [tilespmem:s24+$0x180];
	s23 =	sadd.s32 $0x8, s23;
	[tilespmem:s21+$0x130] =	vst v3  }
0xef: {  	v3 =	vld [tilespmem:s24+$0xFFFFFE80];
	p0 =	slt.u32 s23, $0x78;
	[tilespmem:s21+$0x1B0] =	vst v4  }
0xf0: {  	v4 =	vld [tilespmem:s24+$0xFFFFFF00];
	[tilespmem:s21+$0x230] =	vst v5  }
0xf1: {  	v5 =	vld [tilespmem:s24+$0xFFFFFF80];
	[tilespmem:s21+$0x2B0] =	vst v6  }
0xf2: {  	v6 =	vld [tilespmem:s24+$0x0];
	[tilespmem:s21+$0x330] =	vst v7;
	s21 =	sadd.s32 $0x800, s21  }
0xf3: {  	s22 =	sadd.s32 $0x400, s22;
	v7 =	vld [tilespmem:s24+$0x80];
	[tilespmem:s21+$0xFFFFFF80] =	vst v8  }
0xf4: {  	[tilespmem:s21+$0xFFFFFC80] =	vst v3;
	v3 =	vld [tilespmem:s22+$0x180]  }
0xf5: {  	[tilespmem:s21+$0xFFFFFD00] =	vst v4;
	v4 =	vld [tilespmem:s24+$0x100]  }
0xf6: {  	v8 =	vld [tilespmem:s24+$0xFFFFFE00];
	[tilespmem:s21+$0xFFFFFD80] =	vst v5  }
0xf7: {  	v5 =	vld [tilespmem:s22+$0xFFFFFE80];
	[tilespmem:s21+$0xFFFFFE00] =	vst v6  }
0xf8: {  	v6 =	vld [tilespmem:s22+$0xFFFFFF00];
	[tilespmem:s21+$0xFFFFFE80] =	vst v7  }
0xf9: {  	v7 =	vld [tilespmem:s22+$0xFFFFFF80];
	[tilespmem:s21+$0x380] =	vst v3  }
0xfa: {  	[tilespmem:s21+$0xFFFFFF00] =	vst v4;
	v3 =	vld [tilespmem:s24+$0x190]  }
0xfb: {  	[tilespmem:s21+$0xFFFFFC00] =	vst v8;
	v4 =	vld [tilespmem:s22+$0x0]  }
0xfc: {  	v8 =	vld [tilespmem:s22+$0xFFFFFE00];
	[tilespmem:s21+$0x80] =	vst v5  }
0xfd: {  	[tilespmem:s21+$0x100] =	vst v6;
	v5 =	vld [tilespmem:s22+$0x80]  }
0xfe: {  	[tilespmem:s21+$0x180] =	vst v7;
	v6 =	vld [tilespmem:s22+$0x100]  }
0xff: {  	v7 =	vld [tilespmem:s24+$0xFFFFFE90];
	[tilespmem:s21+$0xFFFFFF90] =	vst v3  }
0x100: {  	[tilespmem:s21+$0x200] =	vst v4;
	v3 =	vld [tilespmem:s22+$0x190]  }
0x101: {  	[tilespmem:s21+$0x0] =	vst v8;
	v4 =	vld [tilespmem:s24+$0xFFFFFF10]  }
0x102: {  	v8 =	vld [tilespmem:s24+$0xFFFFFE10];
	[tilespmem:s21+$0x280] =	vst v5  }
0x103: {  	v5 =	vld [tilespmem:s24+$0xFFFFFF90];
	[tilespmem:s21+$0x300] =	vst v6  }
0x104: {  	[tilespmem:s21+$0xFFFFFC90] =	vst v7;
	v6 =	vld [tilespmem:s24+$0x10]  }
0x105: {  	v7 =	vld [tilespmem:s24+$0x90];
	[tilespmem:s21+$0x390] =	vst v3  }
0x106: {  	[tilespmem:s21+$0xFFFFFD10] =	vst v4;
	v3 =	vld [tilespmem:s24+$0x1A0]  }
0x107: {  	[tilespmem:s21+$0xFFFFFC10] =	vst v8;
	v4 =	vld [tilespmem:s24+$0x110]  }
0x108: {  	v8 =	vld [tilespmem:s22+$0xFFFFFE10];
	[tilespmem:s21+$0xFFFFFD90] =	vst v5  }
0x109: {  	v5 =	vld [tilespmem:s22+$0xFFFFFE90];
	[tilespmem:s21+$0xFFFFFE10] =	vst v6  }
0x10a: {  	v6 =	vld [tilespmem:s22+$0xFFFFFF10];
	[tilespmem:s21+$0xFFFFFE90] =	vst v7  }
0x10b: {  	v7 =	vld [tilespmem:s22+$0xFFFFFF90];
	[tilespmem:s21+$0xFFFFFFA0] =	vst v3  }
0x10c: {  	[tilespmem:s21+$0xFFFFFF10] =	vst v4;
	v3 =	vld [tilespmem:s22+$0x1A0]  }
0x10d: {  	[tilespmem:s21+$0x10] =	vst v8;
	v4 =	vld [tilespmem:s22+$0x10]  }
0x10e: {  	[tilespmem:s21+$0x90] =	vst v5;
	v5 =	vld [tilespmem:s22+$0x90]  }
0x10f: {  	[tilespmem:s21+$0x110] =	vst v6;
	v6 =	vld [tilespmem:s22+$0x110]  }
0x110: {  	v8 =	vld [tilespmem:s24+$0xFFFFFE20];
	[tilespmem:s21+$0x190] =	vst v7  }
0x111: {  	v7 =	vld [tilespmem:s24+$0xFFFFFEA0];
	[tilespmem:s21+$0x3A0] =	vst v3  }
0x112: {  	[tilespmem:s21+$0x210] =	vst v4;
	v3 =	vld [tilespmem:s24+$0x1B0]  }
0x113: {  	v4 =	vld [tilespmem:s24+$0xFFFFFF20];
	[tilespmem:s21+$0x290] =	vst v5  }
0x114: {  	v5 =	vld [tilespmem:s24+$0xFFFFFFA0];
	[tilespmem:s21+$0x310] =	vst v6  }
0x115: {  	[tilespmem:s21+$0xFFFFFC20] =	vst v8;
	v6 =	vld [tilespmem:s24+$0x20]  }
0x116: {  	[tilespmem:s21+$0xFFFFFCA0] =	vst v7;
	v7 =	vld [tilespmem:s24+$0xA0]  }
0x117: {  	v8 =	vld [tilespmem:s24+$0x120];
	[tilespmem:s21+$0xFFFFFFB0] =	vst v3  }
0x118: {  	[tilespmem:s21+$0xFFFFFD20] =	vst v4;
	v3 =	vld [tilespmem:s22+$0x1B0]  }
0x119: {  	v4 =	vld [tilespmem:s22+$0xFFFFFE20];
	[tilespmem:s21+$0xFFFFFDA0] =	vst v5  }
0x11a: {  	v5 =	vld [tilespmem:s22+$0xFFFFFEA0];
	[tilespmem:s21+$0xFFFFFE20] =	vst v6  }
0x11b: {  	v6 =	vld [tilespmem:s22+$0xFFFFFF20];
	[tilespmem:s21+$0xFFFFFEA0] =	vst v7  }
0x11c: {  	v7 =	vld [tilespmem:s22+$0xFFFFFFA0];
	[tilespmem:s21+$0xFFFFFF20] =	vst v8  }
0x11d: {  	v8 =	vld [tilespmem:s22+$0x20];
	[tilespmem:s21+$0x3B0] =	vst v3  }
0x11e: {  	[tilespmem:s21+$0x20] =	vst v4;
	v3 =	vld [tilespmem:s22+$0xA0]  }
0x11f: {  	[tilespmem:s21+$0xA0] =	vst v5;
	v4 =	vld [tilespmem:s22+$0x120]  }
0x120: {  	v5 =	vld [tilespmem:s24+$0xFFFFFE30];
	[tilespmem:s21+$0x120] =	vst v6  }
0x121: {  	v6 =	vld [tilespmem:s24+$0xFFFFFEB0];
	[tilespmem:s21+$0x1A0] =	vst v7  }
0x122: {  	v7 =	vld [tilespmem:s24+$0xFFFFFF30];
	[tilespmem:s21+$0x220] =	vst v8  }
0x123: {  	v8 =	vld [tilespmem:s24+$0xFFFFFFB0];
	[tilespmem:s21+$0x2A0] =	vst v3  }
0x124: {  	v9 =	vld [tilespmem:s24+$0x30];
	[tilespmem:s21+$0x320] =	vst v4  }
0x125: {  	[tilespmem:s21+$0xFFFFFC30] =	vst v5;
	v5 =	vld [tilespmem:s24+$0xB0]  }
0x126: {  	[tilespmem:s21+$0xFFFFFCB0] =	vst v6;
	v6 =	vld [tilespmem:s24+$0x130]  }
0x127: {  	v10 =	vld [tilespmem:s22+$0xFFFFFE30];
	[tilespmem:s21+$0xFFFFFD30] =	vst v7  }
0x128: {  	v7 =	vld [tilespmem:s22+$0xFFFFFEB0];
	[tilespmem:s21+$0xFFFFFDB0] =	vst v8  }
.Ltmp0:
0x129: {  	v3 =	vld [tilespmem:s22+$0xFFFFFF30];
	[tilespmem:s21+$0xFFFFFE30] =	vst v9;
	(pc) =	sbr.rel @p0 .LBB2_3-.Ltmp0, $4  }
0x12a: {  	v4 =	vld [tilespmem:s22+$0xFFFFFFB0];
	[tilespmem:s21+$0xFFFFFEB0] =	vst v5  }
0x12b: {  	v5 =	vld [tilespmem:s22+$0x30];
	[tilespmem:s21+$0xFFFFFF30] =	vst v6  }
0x12c: {  	[tilespmem:s21+$0x30] =	vst v10;
	v6 =	vld [tilespmem:s22+$0xB0]  }
0x12d: {  	s24 =	sadd.s32 $0x400, s24;
	[tilespmem:s21+$0xB0] =	vst v7;
	v7 =	vld [tilespmem:s22+$0x130]  }
0x12e: {  	[tilespmem:s21+$0x130] =	vst v3  }
0x12f: {  	[tilespmem:s21+$0x1B0] =	vst v4  }
0x130: {  	s19 =	sadd.s32 $0x1, s19;
	[tilespmem:s21+$0x230] =	vst v5  }
0x131: {  	s20 =	sshll.u32 s20, $0x5;
	s24 =	rddreg [dreg:$0x1];
	p0 =	sne.s32 s19, $0xC8;
	[tilespmem:s21+$0x2B0] =	vst v6  }
.Ltmp1:
0x132: {  	s20 =	sadd.s32 s24, s20;
	[tilespmem:s21+$0x330] =	vst v7;
	(pc) =	sbr.rel @p0 .LBB2_2-.Ltmp1, $4  }
0x133: {  	[hbm4b:s20+s2] =	stream.linear.scatter [tilespmem:s18], [sflag:$0x2], $0x8000, $0x38;
	[tilespmem:$0x10200] =	vst v63  }
0x134: {  	_ =	swait.ge [sflag:s14], $0x8000  }
0x135: {  	[sflag:s14] =	ssyncset.done $0x0  }
0x136: {  	[sflag:s14] =	ssyncadd.s32 $0xFFFF8000  }
0x137: {  	s20 =	rddreg [dreg:$0x4]  }
0x138: {  	s19 =	rddreg [dreg:$0x3];
	s20 =	sadd.s32 $0x1, s20  }
0x139: {  	p0 =	sne.s32 s20, s19  }
.Ltmp2:
0x13a: {  	_ = 	snop;
	(pc) =	sbr.rel @p0 .LBB2_1-.Ltmp2, $1  }
0x13b: {  	_ =	sdelay $0x3  }
0x13c: {  	_ =	sfence.sel $0x180000  }
0x13d: {  	[bflag:$0x0] =	sbarrier.arrive $0xFFFF  }
0x13e: {  	_ =	strace $0x90000047  }
0x13f: {  	s0 =	stileid.u32;
	[bflag:$0x2] =	sbarrier.arrive $0xFFFF  }
0x140: {  	p0 =	sne.s32 s0, $0x0;
	s0 =	rddreg [dreg:$0x2]  }
0x141: {  	s0 =	sadd.s32 @!p0 $0x100000, s0  }
0x142: {  	[sflag:s0] =	ssyncadd.tile.s32 @!p0 $0x1;
	_ =	shalt  }
.Lfunc_end2:
_tile_overlayer_lowered:
.L_overlay_start_2:
0x143: {  	(tag) =	ssettag $0x2  }
0x144: {  	s0 =	rddreg [dreg:$0x0];
	s2 =	stileid.u32  }
0x145: {  	s1 =	rddreg [dreg:$0x1];
	p0 =	sne.s32 s2, $0x0  }
0x146: {  	s3 =	rddreg [dreg:$0x2];
	[bflag:$0x3] =	sbarrier.arrive $0xFFFF;
	s2 =	simm.s32 @!p0 $0x1C02  }
0x147: {  	[timem:s3], [sflag:s2] =	dma.local @!p0 [hbm:s0], s1  }
0x148: {  	s0 =	simm.s32 @!p0 $0x2  }
0x149: {  	_ =	swait.ge @!p0 [sflag:s0], s1  }
0x14a: {  	s1 =	ssub.s32 @!p0 $0x0, s1;
	[sflag:s0] =	ssyncset.done @!p0 $0x0  }
0x14b: {  	[sflag:s0] =	ssyncadd.s32 @!p0 s1  }
0x14c: {  	[bflag:$0x3] =	sbarrier.arrive $0xFFFF  }
0x14d: {  	_ =	shalt  }

</sc_bundles>
